<compile_context>
chip_gen: v7x
topology: tpu7x:2x2x1
jax: 0.10.2.dev20260603
libtpu: 0.0.44.dev20260713+nightly
codegen_flags: <defaults>
</compile_context>

<pallas_src>
import functools

import jax
import jax.numpy as jnp
from jax import lax
from jax.experimental import pallas as pl
from jax.experimental.pallas import tpu as pltpu
from jax.experimental.pallas import tpu_sc as plsc

_B = 4
_S = 8192
_D = 1024
_N = _B * _S

_NC = 2
_NS = 16
_NW = _NC * _NS
_BPW = _N // _NW
_C = 32
_NCH = _BPW // _C

_mesh = plsc.VectorSubcoreMesh(core_axis_name="c", subcore_axis_name="s")


@functools.partial(
    pl.kernel,
    mesh=_mesh,
    out_type=jax.ShapeDtypeStruct((_N, _D), jnp.float32),
    scratch_types=[
        pltpu.VMEM((_NCH, _C), jnp.int32),
        pltpu.VMEM((3, _C, _D), jnp.float32),
        pltpu.SemaphoreType.DMA,
        pltpu.SemaphoreType.DMA,
        pltpu.SemaphoreType.DMA,
    ],
)
def _gather_rows(idx_hbm, table_hbm, out_hbm, idx_v, rows_v, sem0, sem1, sem2):
    wid = lax.axis_index("s") * _NC + lax.axis_index("c")
    pltpu.sync_copy(idx_hbm.at[wid], idx_v)

    pltpu.async_copy(table_hbm.at[idx_v.at[0]], rows_v.at[0], sem0)
    pltpu.make_async_copy(table_hbm.at[idx_v.at[0]], rows_v.at[0], sem0).wait()

    def _body(g, carry):
        for k in range(2):
            ch = g * 2 + k
            pltpu.async_copy(
                rows_v.at[0], out_hbm.at[idx_v.at[ch]], (sem1, sem2)[k]
            )
        for k in range(2):
            pltpu.make_async_copy(
                rows_v.at[0], out_hbm.at[idx_v.at[0]], (sem1, sem2)[k]
            ).wait()
        return carry

    lax.fori_loop(0, _NCH // 2, _body, 0)


def kernel(inputs, embedding):
    idx = inputs.reshape(_NW, _NCH, _C).astype(jnp.int32)
    out = _gather_rows(idx, embedding)
    return out.reshape(inputs.shape + (_D,))

# --- scband reference (transcript-rebuilt; emitter-appended) ---
"""Pipeline reference for scband-fixed-embed-49057116455088 (READ-ONLY COPY).

The authoritative reference and input builder live on the scoring server;
editing this copy changes nothing except your own understanding.
"""

import jax, jax.numpy as jnp
import numpy as np

FEATURES = 1024
MAX_LENGTH = 8192


def sinusoidal(max_len, features, min_scale=1.0, max_scale=10000.0):
    pe = np.zeros((max_len, features), dtype=np.float32)
    position = np.arange(0, max_len, dtype=np.float32)[:, None]
    scale_factor = -np.log(max_scale / min_scale) / (features // 2 - 1)
    div_term = min_scale * np.exp(np.arange(0, features // 2, dtype=np.float32) * scale_factor)
    pe[:, : features // 2] = np.sin(position * div_term)
    pe[:, features // 2 : 2 * (features // 2)] = np.cos(position * div_term)
    return jnp.asarray(pe)


def setup_inputs(seed: int = 0) -> dict:
    key = jax.random.key(seed)
    k1, _ = jax.random.split(key)
    inputs = jax.random.randint(k1, (4, 8192), 0, MAX_LENGTH, dtype=jnp.int64 if jax.config.jax_enable_x64 else jnp.int32)
    embedding = sinusoidal(MAX_LENGTH, FEATURES)
    return {"inputs": inputs, "embedding": embedding}


def reference(inputs, embedding):
    # FixedEmbed.forward: self.embedding[inputs, :]
    return jnp.take(embedding, inputs, axis=0)

if __name__ == "__main__":
    import jax
    _d = setup_inputs()
    print(jax.jit(kernel)(*tuple(_d.values())))

</pallas_src>

<mosaic_0001>
#map = affine_map<(d0, d1) -> (0, 0, 0)>
#map1 = affine_map<(d0, d1) -> (0, 0)>
module attributes {stable_mosaic.version = 14 : i64} {
  func.func @_gather_rows(%arg0: i32, %arg1: i32, %arg2: memref<32x32x32xi32, #tpu.memory_space<hbm>>, %arg3: memref<8192x1024xf32, #tpu.memory_space<hbm>>, %arg4: memref<32768x1024xf32, #tpu.memory_space<hbm>>, %arg5: memref<32x32xi32, #tpu.memory_space<vmem>>, %arg6: memref<3x32x1024xf32, #tpu.memory_space<vmem>>, %arg7: memref<!tpu.dma_semaphore, #tpu.memory_space<semaphore_mem>>, %arg8: memref<!tpu.dma_semaphore, #tpu.memory_space<semaphore_mem>>, %arg9: memref<!tpu.dma_semaphore, #tpu.memory_space<semaphore_mem>>) attributes {dimension_semantics = [#tpu.dimension_semantics<core_parallel>, #tpu.dimension_semantics<subcore_parallel>], iteration_bounds = array<i64: 2, 16>, scalar_prefetch = 0 : i64, scratch_operands = 5 : i64, tpu.core_type = #tpu.core_type<sc_vector_subcore>, window_params = [{transform_indices = #map}, {transform_indices = #map1}, {transform_indices = #map1}]} {
    %mul3A = arith.constant 2 : i32
    %mul3A_0 = arith.muli %arg1, %mul3A : i32
    %add3A = arith.addi %mul3A_0, %arg0 : i32
    "tpu.region"() ({
      %run_scoped3A = tpu.sem_alloc : memref<!tpu.dma_semaphore, #tpu.memory_space<semaphore_mem>>
      %dma_start3A_28 = arith.constant 0 : i32
      %dma_start3A_29 = arith.constant 0 : i32
      %dma_start3A_30 = tpu.memref_slice %arg2[%add3A, %dma_start3A_28, %dma_start3A_29] : memref<32x32x32xi32, #tpu.memory_space<hbm>> -> memref<1x32x32xi32, #tpu.memory_space<hbm>>
      %dma_start3A_31 = tpu.memref_squeeze %dma_start3A_30 : memref<1x32x32xi32, #tpu.memory_space<hbm>> -> memref<32x32xi32, #tpu.memory_space<hbm>>
      %dma_start3A_32 = arith.constant 0 : i32
      %dma_start3A_33 = arith.constant 0 : i32
      %dma_start3A_34 = tpu.memref_slice %arg2[%add3A, %dma_start3A_32, %dma_start3A_33] : memref<32x32x32xi32, #tpu.memory_space<hbm>> -> memref<1x32x32xi32, #tpu.memory_space<hbm>>
      %dma_start3A_35 = tpu.memref_squeeze %dma_start3A_34 : memref<1x32x32xi32, #tpu.memory_space<hbm>> -> memref<32x32xi32, #tpu.memory_space<hbm>>
      tpu.enqueue_dma source(%dma_start3A_35 : memref<32x32xi32, #tpu.memory_space<hbm>>) target(%arg5 : memref<32x32xi32, #tpu.memory_space<vmem>>) target_semaphore(%run_scoped3A : memref<!tpu.dma_semaphore, #tpu.memory_space<semaphore_mem>>)
      %dma_wait3A_36 = arith.constant 0 : i32
      %dma_wait3A_37 = arith.constant 0 : i32
      %dma_wait3A_38 = tpu.memref_slice %arg2[%add3A, %dma_wait3A_36, %dma_wait3A_37] : memref<32x32x32xi32, #tpu.memory_space<hbm>> -> memref<1x32x32xi32, #tpu.memory_space<hbm>>
      %dma_wait3A_39 = tpu.memref_squeeze %dma_wait3A_38 : memref<1x32x32xi32, #tpu.memory_space<hbm>> -> memref<32x32xi32, #tpu.memory_space<hbm>>
      %dma_wait3A_40 = arith.constant 0 : i32
      %dma_wait3A_41 = arith.constant 0 : i32
      %dma_wait3A_42 = tpu.memref_slice %arg2[%add3A, %dma_wait3A_40, %dma_wait3A_41] : memref<32x32x32xi32, #tpu.memory_space<hbm>> -> memref<1x32x32xi32, #tpu.memory_space<hbm>>
      %dma_wait3A_43 = tpu.memref_squeeze %dma_wait3A_42 : memref<1x32x32xi32, #tpu.memory_space<hbm>> -> memref<32x32xi32, #tpu.memory_space<hbm>>
      tpu.wait_dma2 semaphore(%run_scoped3A : memref<!tpu.dma_semaphore, #tpu.memory_space<semaphore_mem>>) src(%dma_wait3A_43 : memref<32x32xi32, #tpu.memory_space<hbm>>) dst(%arg5 : memref<32x32xi32, #tpu.memory_space<vmem>>)
      tpu.yield
    }) : () -> ()
    %dma_start3A = arith.constant 0 : i32
    %dma_start3A_1 = arith.constant 0 : i32
    %dma_start3A_2 = arith.constant 0 : i32
    %dma_start3A_3 = arith.constant 0 : i32
    %dma_start3A_4 = tpu.memref_slice %arg6[%dma_start3A_1, %dma_start3A_2, %dma_start3A_3] : memref<3x32x1024xf32, #tpu.memory_space<vmem>> -> memref<1x32x1024xf32, #tpu.memory_space<vmem>>
    %dma_start3A_5 = tpu.memref_squeeze %dma_start3A_4 : memref<1x32x1024xf32, #tpu.memory_space<vmem>> -> memref<32x1024xf32, #tpu.memory_space<vmem>>
    %dma_start3A_6 = arith.constant 0 : i32
    %dma_start3A_7 = tpu.memref_slice %arg5[%dma_start3A, %dma_start3A_6] : memref<32x32xi32, #tpu.memory_space<vmem>> -> memref<1x32xi32, #tpu.memory_space<vmem>>
    %dma_start3A_8 = tpu.memref_squeeze %dma_start3A_7 : memref<1x32xi32, #tpu.memory_space<vmem>> -> memref<32xi32, #tpu.memory_space<vmem>>
    %dma_start3A_9 = arith.constant 0 : i32
    %dma_start3A_10 = arith.constant 0 : i32
    %dma_start3A_11 = tpu.memref_slice %arg3[%dma_start3A_9, %dma_start3A_10] : memref<8192x1024xf32, #tpu.memory_space<hbm>> -> memref<8192x1024xf32, #tpu.memory_space<hbm>>
    tpu.enqueue_indirect_dma source(%dma_start3A_11 : memref<8192x1024xf32, #tpu.memory_space<hbm>>) target(%dma_start3A_5 : memref<32x1024xf32, #tpu.memory_space<vmem>>) offsets(%dma_start3A_8 : memref<32xi32, #tpu.memory_space<vmem>>) semaphore(%arg7 : memref<!tpu.dma_semaphore, #tpu.memory_space<semaphore_mem>>)
    %dma_wait3A = arith.constant 0 : i32
    %dma_wait3A_12 = arith.constant 0 : i32
    %dma_wait3A_13 = arith.constant 0 : i32
    %dma_wait3A_14 = arith.constant 0 : i32
    %dma_wait3A_15 = tpu.memref_slice %arg6[%dma_wait3A_12, %dma_wait3A_13, %dma_wait3A_14] : memref<3x32x1024xf32, #tpu.memory_space<vmem>> -> memref<1x32x1024xf32, #tpu.memory_space<vmem>>
    %dma_wait3A_16 = tpu.memref_squeeze %dma_wait3A_15 : memref<1x32x1024xf32, #tpu.memory_space<vmem>> -> memref<32x1024xf32, #tpu.memory_space<vmem>>
    %dma_wait3A_17 = arith.constant 0 : i32
    %dma_wait3A_18 = tpu.memref_slice %arg5[%dma_wait3A, %dma_wait3A_17] : memref<32x32xi32, #tpu.memory_space<vmem>> -> memref<1x32xi32, #tpu.memory_space<vmem>>
    %dma_wait3A_19 = tpu.memref_squeeze %dma_wait3A_18 : memref<1x32xi32, #tpu.memory_space<vmem>> -> memref<32xi32, #tpu.memory_space<vmem>>
    %dma_wait3A_20 = arith.constant 0 : i32
    %dma_wait3A_21 = arith.constant 0 : i32
    %dma_wait3A_22 = tpu.memref_slice %arg3[%dma_wait3A_20, %dma_wait3A_21] : memref<8192x1024xf32, #tpu.memory_space<hbm>> -> memref<8192x1024xf32, #tpu.memory_space<hbm>>
    tpu.wait_indirect_dma semaphore(%arg7 : memref<!tpu.dma_semaphore, #tpu.memory_space<semaphore_mem>>) src(%dma_wait3A_22 : memref<8192x1024xf32, #tpu.memory_space<hbm>>) dst(%dma_wait3A_16 : memref<32x1024xf32, #tpu.memory_space<vmem>>)
    %scan3A = arith.constant 0 : i32
    %scan3A_23 = arith.constant 0 : i32
    %scan3A_24 = arith.constant 16 : i32
    %scan3A_25 = arith.addi %scan3A_23, %scan3A_24 : i32
    %scan3A_26 = arith.constant 1 : i32
    scf.for %scan3A_28 = %scan3A_23 to %scan3A_25 step %scan3A_26  : i32 {
      %mul3A_29 = arith.constant 2 : i32
      %mul3A_30 = arith.muli %scan3A_28, %mul3A_29 : i32
      %add3A_31 = arith.constant 0 : i32
      %add3A_32 = arith.addi %mul3A_30, %add3A_31 : i32
      %dma_start3A_33 = arith.constant 0 : i32
      %dma_start3A_34 = arith.constant 0 : i32
      %dma_start3A_35 = arith.constant 0 : i32
      %dma_start3A_36 = tpu.memref_slice %arg6[%dma_start3A_33, %dma_start3A_34, %dma_start3A_35] : memref<3x32x1024xf32, #tpu.memory_space<vmem>> -> memref<1x32x1024xf32, #tpu.memory_space<vmem>>
      %dma_start3A_37 = tpu.memref_squeeze %dma_start3A_36 : memref<1x32x1024xf32, #tpu.memory_space<vmem>> -> memref<32x1024xf32, #tpu.memory_space<vmem>>
      %dma_start3A_38 = arith.constant 0 : i32
      %dma_start3A_39 = tpu.memref_slice %arg5[%add3A_32, %dma_start3A_38] : memref<32x32xi32, #tpu.memory_space<vmem>> -> memref<1x32xi32, #tpu.memory_space<vmem>>
      %dma_start3A_40 = tpu.memref_squeeze %dma_start3A_39 : memref<1x32xi32, #tpu.memory_space<vmem>> -> memref<32xi32, #tpu.memory_space<vmem>>
      %dma_start3A_41 = arith.constant 0 : i32
      %dma_start3A_42 = arith.constant 0 : i32
      %dma_start3A_43 = tpu.memref_slice %arg4[%dma_start3A_41, %dma_start3A_42] : memref<32768x1024xf32, #tpu.memory_space<hbm>> -> memref<32768x1024xf32, #tpu.memory_space<hbm>>
      tpu.enqueue_indirect_dma source(%dma_start3A_37 : memref<32x1024xf32, #tpu.memory_space<vmem>>) target(%dma_start3A_43 : memref<32768x1024xf32, #tpu.memory_space<hbm>>) offsets(%dma_start3A_40 : memref<32xi32, #tpu.memory_space<vmem>>) semaphore(%arg8 : memref<!tpu.dma_semaphore, #tpu.memory_space<semaphore_mem>>)
      %mul3A_44 = arith.constant 2 : i32
      %mul3A_45 = arith.muli %scan3A_28, %mul3A_44 : i32
      %add3A_46 = arith.constant 1 : i32
      %add3A_47 = arith.addi %mul3A_45, %add3A_46 : i32
      %dma_start3A_48 = arith.constant 0 : i32
      %dma_start3A_49 = arith.constant 0 : i32
      %dma_start3A_50 = arith.constant 0 : i32
      %dma_start3A_51 = tpu.memref_slice %arg6[%dma_start3A_48, %dma_start3A_49, %dma_start3A_50] : memref<3x32x1024xf32, #tpu.memory_space<vmem>> -> memref<1x32x1024xf32, #tpu.memory_space<vmem>>
      %dma_start3A_52 = tpu.memref_squeeze %dma_start3A_51 : memref<1x32x1024xf32, #tpu.memory_space<vmem>> -> memref<32x1024xf32, #tpu.memory_space<vmem>>
      %dma_start3A_53 = arith.constant 0 : i32
      %dma_start3A_54 = tpu.memref_slice %arg5[%add3A_47, %dma_start3A_53] : memref<32x32xi32, #tpu.memory_space<vmem>> -> memref<1x32xi32, #tpu.memory_space<vmem>>
      %dma_start3A_55 = tpu.memref_squeeze %dma_start3A_54 : memref<1x32xi32, #tpu.memory_space<vmem>> -> memref<32xi32, #tpu.memory_space<vmem>>
      %dma_start3A_56 = arith.constant 0 : i32
      %dma_start3A_57 = arith.constant 0 : i32
      %dma_start3A_58 = tpu.memref_slice %arg4[%dma_start3A_56, %dma_start3A_57] : memref<32768x1024xf32, #tpu.memory_space<hbm>> -> memref<32768x1024xf32, #tpu.memory_space<hbm>>
      tpu.enqueue_indirect_dma source(%dma_start3A_52 : memref<32x1024xf32, #tpu.memory_space<vmem>>) target(%dma_start3A_58 : memref<32768x1024xf32, #tpu.memory_space<hbm>>) offsets(%dma_start3A_55 : memref<32xi32, #tpu.memory_space<vmem>>) semaphore(%arg9 : memref<!tpu.dma_semaphore, #tpu.memory_space<semaphore_mem>>)
      %dma_wait3A_59 = arith.constant 0 : i32
      %dma_wait3A_60 = arith.constant 0 : i32
      %dma_wait3A_61 = arith.constant 0 : i32
      %dma_wait3A_62 = arith.constant 0 : i32
      %dma_wait3A_63 = tpu.memref_slice %arg6[%dma_wait3A_59, %dma_wait3A_61, %dma_wait3A_62] : memref<3x32x1024xf32, #tpu.memory_space<vmem>> -> memref<1x32x1024xf32, #tpu.memory_space<vmem>>
      %dma_wait3A_64 = tpu.memref_squeeze %dma_wait3A_63 : memref<1x32x1024xf32, #tpu.memory_space<vmem>> -> memref<32x1024xf32, #tpu.memory_space<vmem>>
      %dma_wait3A_65 = arith.constant 0 : i32
      %dma_wait3A_66 = tpu.memref_slice %arg5[%dma_wait3A_60, %dma_wait3A_65] : memref<32x32xi32, #tpu.memory_space<vmem>> -> memref<1x32xi32, #tpu.memory_space<vmem>>
      %dma_wait3A_67 = tpu.memref_squeeze %dma_wait3A_66 : memref<1x32xi32, #tpu.memory_space<vmem>> -> memref<32xi32, #tpu.memory_space<vmem>>
      %dma_wait3A_68 = arith.constant 0 : i32
      %dma_wait3A_69 = arith.constant 0 : i32
      %dma_wait3A_70 = tpu.memref_slice %arg4[%dma_wait3A_68, %dma_wait3A_69] : memref<32768x1024xf32, #tpu.memory_space<hbm>> -> memref<32768x1024xf32, #tpu.memory_space<hbm>>
      tpu.wait_indirect_dma semaphore(%arg8 : memref<!tpu.dma_semaphore, #tpu.memory_space<semaphore_mem>>) src(%dma_wait3A_64 : memref<32x1024xf32, #tpu.memory_space<vmem>>) dst(%dma_wait3A_70 : memref<32768x1024xf32, #tpu.memory_space<hbm>>)
      %dma_wait3A_71 = arith.constant 0 : i32
      %dma_wait3A_72 = arith.constant 0 : i32
      %dma_wait3A_73 = arith.constant 0 : i32
      %dma_wait3A_74 = arith.constant 0 : i32
      %dma_wait3A_75 = tpu.memref_slice %arg6[%dma_wait3A_71, %dma_wait3A_73, %dma_wait3A_74] : memref<3x32x1024xf32, #tpu.memory_space<vmem>> -> memref<1x32x1024xf32, #tpu.memory_space<vmem>>
      %dma_wait3A_76 = tpu.memref_squeeze %dma_wait3A_75 : memref<1x32x1024xf32, #tpu.memory_space<vmem>> -> memref<32x1024xf32, #tpu.memory_space<vmem>>
      %dma_wait3A_77 = arith.constant 0 : i32
      %dma_wait3A_78 = tpu.memref_slice %arg5[%dma_wait3A_72, %dma_wait3A_77] : memref<32x32xi32, #tpu.memory_space<vmem>> -> memref<1x32xi32, #tpu.memory_space<vmem>>
      %dma_wait3A_79 = tpu.memref_squeeze %dma_wait3A_78 : memref<1x32xi32, #tpu.memory_space<vmem>> -> memref<32xi32, #tpu.memory_space<vmem>>
      %dma_wait3A_80 = arith.constant 0 : i32
      %dma_wait3A_81 = arith.constant 0 : i32
      %dma_wait3A_82 = tpu.memref_slice %arg4[%dma_wait3A_80, %dma_wait3A_81] : memref<32768x1024xf32, #tpu.memory_space<hbm>> -> memref<32768x1024xf32, #tpu.memory_space<hbm>>
      tpu.wait_indirect_dma semaphore(%arg9 : memref<!tpu.dma_semaphore, #tpu.memory_space<semaphore_mem>>) src(%dma_wait3A_76 : memref<32x1024xf32, #tpu.memory_space<vmem>>) dst(%dma_wait3A_82 : memref<32768x1024xf32, #tpu.memory_space<hbm>>)
    }
    %scan3A_27 = arith.constant 16 : i32
    return
  }
}

</mosaic_0001>

<sc_bundles>
// kernel: kernel.3.cloned.1.call-start
scs
__scs_entry_jumppad:
0x0: {  	(pc) =	sbr.rel $0x88, $3  }
0x1: {  	(tag) =	ssettag $0x0;
	lr =	simm.s32 $0x1  }
0x2: {  	[smem:$0x3F9F] =	sst lr;
	_ =	strace $0xD0000000  }
0x3: {  	_ = 	snop  }
0x4: {  	_ = 	snop  }
0x5: {  	_ = 	snop  }
0x6: {  	_ = 	snop  }
0x7: {  	_ = 	snop  }
__scs_overlays_trampoline_lowered:
0x8: {  	[smem:$0x3FAE] =	sst s0  }
0x9: {  	[smem:$0x3FAF] =	sst s1  }
0xa: {  	[smem:$0x3FB0] =	sst s2  }
0xb: {  	[smem:$0x3FB1] =	sst s3  }
0xc: {  	[smem:$0x3FB2] =	sst s4  }
0xd: {  	[smem:$0x3FB3] =	sst s5  }
0xe: {  	[smem:$0x3FB4] =	sst s6  }
0xf: {  	[smem:$0x3FB5] =	sst s7  }
0x10: {  	[smem:$0x3FB6] =	sst s8  }
0x11: {  	[smem:$0x3FB7] =	sst s9;
	s0 =	simm.s32 @!p0 $0x0  }
0x12: {  	s1 =	sld [smem:$0x3F9D];
	s0 =	simm.s32 @p0 $0x1  }
0x13: {  	[smem:$0x3FB8] =	sst s0;
	s0 =	simm.s32 @!p1 $0x0  }
0x14: {  	s2 =	sld [smem:$0x3F9C];
	s0 =	simm.s32 @p1 $0x1  }
0x15: {  	[smem:$0x3FB9] =	sst s0;
	s0 =	simm.s32 @!p2 $0x0  }
0x16: {  	s3 =	sld [smem:$0x3FDB];
	s0 =	simm.s32 @p2 $0x1  }
0x17: {  	s4 =	simm.s32 $0x1BF5;
	[smem:$0x3FBB] =	sst s0  }
0x18: {  	s0 =	sld [smem:$0x3F9E];
	_ =	swait.ge [sflag:s4], $0x0  }
0x19: {  	s7 =	sld [smem:$0x3F9F]  }
0x1a: {  	s8 =	sadd.s32 $0xFFFFE003, lr  }
0x1b: {  	s9 =	sadd.s32 $0xFFFFFEF7, lr;
	s5 =	simm.s32 $0xFFFFFFFF;
	p2 =	slt.u32 s8, $0xFFFFF086  }
0x1c: {  	p1 =	slt.u32 s9, $0xF7A;
	s5 =	simm.s32 @!p2 $0x0  }
0x1d: {  	s5 =	simm.s32 @p1 $0x1;
	p0 =	seq.s32 s7, s2  }
0x1e: {  	s7 =	smul.u32 @!p0 $0xF7A, s2;
	p2 =	seq.s32 @!p0 s5, $0x0  }
0x1f: {  	s9 =	smul.u32 $0xF7A, s1;
	s8 =	simm.s32 @!p0 $0x1BF5;
	p2 =	por !p2, p0  }
0x20: {  	[sflag:s8] =	ssyncset.s32 @!p0 $0xFFFFF086;
	s6 =	sadd.s32 @!p0 s3, s7;
	s7 =	simm.s32 @!p0 $0x108  }
0x21: {  	s3 =	sadd.s32 s3, s9;
	s6 =	sadd.s32 @!p0 $0x88, s6;
	s7 =	simm.s32 @p2 $0x1082  }
0x22: {  	[simem:s7], [sflag:s8] =	dma.local @!p0 [hbm:s6], $0xF7A  }
0x23: {  	s9 =	sor.u32 $0xD0000000, s2;
	s6 =	simm.s32 $0x108;
	_ =	swait.ge @!p0 [sflag:s8], $0x0  }
0x24: {  	s3 =	sadd.s32 $0x88, s3;
	s6 =	simm.s32 @!p1 $0x1082;
	[sflag:s4] =	ssyncset.s32 $0xFFFFF086  }
0x25: {  	[simem:s6], [sflag:s4] =	dma.local [hbm:s3], $0xF7A  }
0x26: {  	[smem:$0x3F9F] =	sst s1;
	(tag) =	ssettag s2;
	_ =	strace s9  }
0x27: {  	s1 =	sld [smem:$0x3FAF]  }
0x28: {  	s2 =	sld [smem:$0x3FB0]  }
0x29: {  	s4 =	sld [smem:$0x3FB2]  }
0x2a: {  	p0 =	seq.s32 s5, $0x0;
	s5 =	sld [smem:$0x3FB3]  }
0x2b: {  	s6 =	sld [smem:$0x3FB4]  }
0x2c: {  	s7 =	sld [smem:$0x3FB5]  }
0x2d: {  	s3 =	simm.s32 $0x108;
	s8 =	sld [smem:$0x3FB6]  }
0x2e: {  	s3 =	simm.s32 @!p0 $0x1082;
	s9 =	sld [smem:$0x3FB7]  }
0x2f: {  	lr =	sadd.s32 s0, s3;
	s0 =	sld [smem:$0x3FAE]  }
0x30: {  	s3 =	sld [smem:$0x3FB1]  }
0x31: {  	[smem:$0x3FBA] =	sst s10  }
0x32: {  	s10 =	sld [smem:$0x3FB8];
	_ =	sdelay $0x3  }
0x33: {  	p0 =	seq.s32 s10, $0x1;
	s10 =	sld [smem:$0x3FBA];
	_ =	sdelay $0x3  }
0x34: {  	[smem:$0x3FBA] =	sst s10  }
0x35: {  	s10 =	sld [smem:$0x3FB9];
	_ =	sdelay $0x3  }
0x36: {  	p1 =	seq.s32 s10, $0x1;
	s10 =	sld [smem:$0x3FBA];
	_ =	sdelay $0x3  }
0x37: {  	[smem:$0x3FBA] =	sst s10  }
0x38: {  	s10 =	sld [smem:$0x3FBB]  }
0x39: {  	_ = 	snop;
	(pc) =	sbr.ind lr, $3  }
0x3a: {  	_ = 	snop  }
0x3b: {  	_ = 	snop  }
0x3c: {  	p2 =	seq.s32 s10, $0x1;
	s10 =	sld [smem:$0x3FBA]  }
0x3d: {  	_ =	shalt  }
0x3e: {  	_ =	shalt  }
0x3f: {  	_ =	shalt  }
0x40: {  	_ =	shalt  }
0x41: {  	_ =	shalt  }
0x42: {  	_ =	shalt  }
0x43: {  	_ =	shalt  }
0x44: {  	_ =	shalt  }
0x45: {  	_ =	shalt  }
0x46: {  	_ =	shalt  }
0x47: {  	_ =	shalt  }
0x48: {  	_ =	shalt  }
0x49: {  	_ =	shalt  }
0x4a: {  	_ =	shalt  }
0x4b: {  	_ =	shalt  }
0x4c: {  	_ =	shalt  }
0x4d: {  	_ =	shalt  }
0x4e: {  	_ =	shalt  }
0x4f: {  	_ =	shalt  }
0x50: {  	_ =	shalt  }
0x51: {  	_ =	shalt  }
0x52: {  	_ =	shalt  }
0x53: {  	_ =	shalt  }
0x54: {  	_ =	shalt  }
0x55: {  	_ =	shalt  }
0x56: {  	_ =	shalt  }
0x57: {  	_ =	shalt  }
0x58: {  	_ =	shalt  }
0x59: {  	_ =	shalt  }
0x5a: {  	_ =	shalt  }
0x5b: {  	_ =	shalt  }
0x5c: {  	_ =	shalt  }
0x5d: {  	_ =	shalt  }
0x5e: {  	_ =	shalt  }
0x5f: {  	_ =	shalt  }
0x60: {  	_ =	shalt  }
0x61: {  	_ =	shalt  }
0x62: {  	_ =	shalt  }
0x63: {  	_ =	shalt  }
0x64: {  	_ =	shalt  }
0x65: {  	_ =	shalt  }
0x66: {  	_ =	shalt  }
0x67: {  	_ =	shalt  }
0x68: {  	_ =	shalt  }
0x69: {  	_ =	shalt  }
0x6a: {  	_ =	shalt  }
0x6b: {  	_ =	shalt  }
0x6c: {  	_ =	shalt  }
0x6d: {  	_ =	shalt  }
0x6e: {  	_ =	shalt  }
0x6f: {  	_ =	shalt  }
0x70: {  	_ =	shalt  }
0x71: {  	_ =	shalt  }
0x72: {  	_ =	shalt  }
0x73: {  	_ =	shalt  }
0x74: {  	_ =	shalt  }
0x75: {  	_ =	shalt  }
0x76: {  	_ =	shalt  }
0x77: {  	_ =	shalt  }
0x78: {  	_ =	shalt  }
0x79: {  	_ =	shalt  }
0x7a: {  	_ =	shalt  }
0x7b: {  	_ =	shalt  }
0x7c: {  	_ =	shalt  }
0x7d: {  	_ =	shalt  }
0x7e: {  	_ =	shalt  }
0x7f: {  	_ =	shalt  }
0x80: {  	_ =	shalt  }
0x81: {  	_ =	shalt  }
0x82: {  	_ =	shalt  }
0x83: {  	_ =	shalt  }
0x84: {  	_ =	shalt  }
0x85: {  	_ =	shalt  }
0x86: {  	_ =	shalt  }
0x87: {  	_ =	shalt  }
.Lfunc_end0:
.L_simem_size_0:
called_computation_lowered:
.L_overlay_start_0:
0x88: {  	s2 =	sld [smem:$0x3FD9]  }
0x89: {  	s3 =	sld [smem:$0x3FFE];
	_ =	sdelay $0x1  }
0x8a: {  	s1 =	srdreg.scid  }
0x8b: {  	s0 =	sand.u32 $0x1, s1  }
0x8c: {  	s17 =	sshll.u32 s0, $0xA;
	s2 =	sadd.s32 s3, s2  }
0x8d: {  	s2 =	sadd.s32 s2, s17  }
0x8e: {  	[smem:$0x3FC6] =	sst s2  }
0x8f: {  	_ = 	snop  }
0x90: {  	s2 =	sld [smem:$0x3FC8]  }
0x91: {  	s18 =	sld [smem:$0x3FD0];
	(tm) =	ssettm $0x1  }
0x92: {  	s4 =	sld [smem:$0x3FFB];
	_ =	sdelay $0x3  }
0x93: {  	_ =	strace s4  }
0x94: {  	s4 =	sld [smem:$0x3FFC];
	_ =	sdelay $0x3  }
0x95: {  	_ =	strace s4  }
0x96: {  	s4 =	sld [smem:$0x3FFD];
	_ =	sdelay $0x3  }
0x97: {  	_ =	strace s4  }
0x98: {  	_ =	strace $0x8FFFFFFF  }
0x99: {  	s19 =	sld [smem:$0x3FDB];
	_ =	sdelay $0x1  }
0x9a: {  	s5 =	simm.s32 $_scs_section_size  }
0x9b: {  	s6 =	simm.s32 $_size__tile_overlayer_lowered;
	s7 =	simm.s32 $_tile_overlayer_lowered  }
0x9c: {  	s22 =	simm.s32 $0x1BFF;
	s21 =	sshll.u32 s7, $0x1;
	s4 =	sadd.s32 s5, s19  }
0x9d: {  	s8 =	simm.s32 $0x0;
	s20 =	sshll.u32 s6, $0x1;
	s6 =	sadd.s32 s21, s4  }
0x9e: {  	[timem:s8], [sflag:s22] =	dma.local [hbm:s6], s20  }
0x9f: {  	_ =	swait.ge [sflag:s22], s20  }
0xa0: {  	s5 =	ssub.s32 $0x0, s20;
	[sflag:s22] =	ssyncset.done $0x0  }
0xa1: {  	[sflag:s22] =	ssyncadd.s32 s5;
	_ =	sdelay $0x1  }
0xa2: {  	s23 =	simm.s32 $0x1B8B  }
0xa3: {  	_ =	swait.ge [sflag:s23], $0x1  }
0xa4: {  	[sflag:s23] =	ssyncset.done $0x0  }
0xa5: {  	s25 =	simm.s32 $0x1B8E;
	s24 =	sld [smem:$0x3FFE];
	[sflag:s23] =	ssyncadd.s32 $0xFFFFFFFF  }
0xa6: {  	s26 =	simm.s32 $execute0_lowered;
	[smem:$0x3FD2] =	sst s25  }
0xa7: {  	s6 =	sshll.u32 s26, $0x1;
	_ =	strace $0x80000046;
	[dreg:$0x1] =	wrdreg $0xFFFFFFFF  }
0xa8: {  	s28 =	simm.s32 $_size_execute0_lowered;
	s4 =	sadd.s32 s4, s6;
	[dreg:$0x0] =	wrdreg $0x0  }
0xa9: {  	s6 =	sshll.u32 s28, $0x1;
	[dreg:$0x2] =	wrdreg s4  }
0xaa: {  	[dreg:$0x3] =	wrdreg s6  }
0xab: {  	[dreg:$0x4] =	wrdreg $0xC0  }
0xac: {  	_ =	task [dreg:s8], $0x5FFFF  }
0xad: {  	[dreg:$0x1] =	wrdreg $0xFFFFFFFF  }
0xae: {  	[dreg:$0x0] =	wrdreg $0x60  }
0xaf: {  	[dreg:$0x2] =	wrdreg s24  }
0xb0: {  	[dreg:$0x3] =	wrdreg s2  }
0xb1: {  	[dreg:$0x4] =	wrdreg s18  }
0xb2: {  	[dreg:$0x5] =	wrdreg $0x9  }
0xb3: {  	_ =	task.clear_ibuf [dreg:s8], $0x6FFFF;
	_ =	strace $0x90000046  }
0xb4: {  	s29 =	simm.s32 $0x9;
	_ =	strace $0x80000048  }
0xb5: {  	_ =	swait.ge [sflag:s29], $0x1  }
0xb6: {  	[sflag:s29] =	ssyncadd.s32 $0xFFFFFFFF  }
0xb7: {  	_ =	strace $0x90000048  }
0xb8: {  	_ =	sfence  }
0xb9: {  	s30 =	sld [smem:$0x0];
	_ =	sdelay $0x2  }
0xba: {  	s31 =	sshll.u32 s1, $0xD;
	s1 =	sshrl.u32 s1, $0x2  }
0xbb: {  	s3 =	sand.u32 $0x4000, s31;
	s1 =	sadd.s32 s1, s30  }
0xbc: {  	s0 =	sor.u32 s3, s0;
	s1 =	sshll.u32 s1, $0x11  }
0xbd: {  	s0 =	sor.u32 s1, s0  }
0xbe: {  	s0 =	sadd.s32 $0x8F2B, s0  }
0xbf: {  	[sflag:s0] =	ssyncadd.remote.s32 $0x1  }
0xc0: {  	_ =	sfence.sel $0xFFFF  }
0xc1: {  	[dreg:$0x0] =	wrdreg $0xFFFFFFFF;
	(pc) =	sbr.abs _section_cstart, $3  }
0xc2: {  	[dreg:$0x1] =	wrdreg $0xFFFFFFFF  }
0xc3: {  	_ =	task.clear_ibuf [dreg:s8], $0x2FFFF;
	_ =	strace $0x9FFFFFFF  }
0xc4: {  	(tm) =	ssettm $0x7FFFFFFF  }
0xc5: {  	_ =	shalt  }
tec
execute0_lowered:
.L_overlay_start_1:
0x0: {  	(tag) =	ssettag $0x1  }
0x1: {  	s0 =	rddreg [dreg:$0x0]  }
0x2: {  	s1 =	rddreg [dreg:$0x1]  }
0x3: {  	s2 =	rddreg [dreg:$0x2];
	s3 =	srdreg.scid  }
0x4: {  	s4 =	simm.s32 $0x0;
	s6 =	stileid.u32;
	s14 =	simm.s32 $0x1000  }
0x5: {  	s15 =	simm.s32 $0x1800;
	s16 =	simm.s32 $0x2000;
	s17 =	simm.s32 $0x2800  }
0x6: {  	s18 =	simm.s32 $0x3000;
	s19 =	simm.s32 $0x3800;
	s20 =	simm.s32 $0x4000  }
0x7: {  	s21 =	simm.s32 $0x4800;
	s22 =	simm.s32 $0x5000;
	s23 =	simm.s32 $0x5800  }
0x8: {  	s28 =	simm.s32 $0x7800;
	s29 =	simm.s32 $0x8000;
	s30 =	simm.s32 $0x8800  }
0x9: {  	s31 =	simm.s32 $0x1;
	s3 =	sand.u32 $0x1, s3;
	[smem:$0x7FF] =	sst s4  }
0xa: {  	s24 =	sshll.u32 s6, $0xA;
	s6 =	sadd.s32 $0x100, s1;
	s7 =	sadd.s32 $0x200, s1  }
0xb: {  	s8 =	sadd.s32 $0x300, s1;
	s9 =	sadd.s32 $0x100, s2;
	s10 =	sadd.s32 $0x200, s2  }
0xc: {  	s11 =	sadd.s32 $0x300, s2;
	s5 =	sshll.u32 s3, $0x9;
	s3 =	ssub.s32 $0x2, s3  }
0xd: {  	_ =	strace $0x80000047;
	s0 =	sadd.s32 s5, s0;
	s25 =	sshrl.u32 s3, $0x1  }
0xe: {  	s5 =	simm.s32 $0x0;
	s0 =	sadd.s32 s24, s0;
	s3 =	ssub.s32 s3, s25  }
0xf: {  	v2 =	vlaneseq.u32;
	s24 =	simm.s32 $0x6000;
	s25 =	simm.s32 $0x6800;
	s0 =	sadd.s32 $0x400, s0  }
0x10: {  	vm0 =	vmmov $0xffff;
	v1 =	vshrl.u32 v2, $0x3;
	s26 =	smax.u32 s3, $0x1;
	s3 =	simm.s32 $0x3;
	[dreg:$0x4] =	wrdreg s0  }
0x11: {  	v0 =	vand.u32 $0x7, v2;
	v2 =	vor.u32 $0x8, v2;
	v1 =	vmul.u32 $0x8, v1;
	[dreg:$0x5] =	wrdreg s26;
	s26 =	simm.s32 $0x7000;
	s0 =	simm.s32 $0x2  }
.LBB2_1:
0x12: {  	s12 =	rddreg [dreg:$0x4];
	s13 =	simm.s32 $0x4  }
0x13: {  	[tilespmem:s4], [sflag:$0x4] =	stream.linear.gather [hbm4b:s12+s4], $0x1000, $0x38;
	[tilespmem:$0x19000] =	vst v63  }
0x14: {  	_ =	swait.ge [sflag:s13], $0x1000  }
0x15: {  	[sflag:s13] =	ssyncset.done $0x0  }
0x16: {  	[sflag:s13] =	ssyncadd.s32 $0xFFFFF000  }
0x17: {  	v3 =	vld [tilespmem:$0x0];
	_ =	sdelay $0x4  }
0x18: {  	v4 =	vshll.u32 v3, $0x3  }
0x19: {  	v3 =	vand.u32 $0x7, v3;
	v4 =	vand.u32 $0xFFFFFFC0, v4  }
0x1a: {  	v3 =	vor.u32 v3, v4  }
0x1b: {  	v4 =	vperm.xlane v3, v0;
	_ =	sdelay $0x1  }
0x1c: {  	v4 =	vadd.s32 v1, v4;
	_ =	sdelay $0x4  }
0x1d: {  	[tilespmem:s14], [sflag:$0x1] =	stream.indirect_vreg.gather [hbm4b:s1+s4], $0x80, v4, vm0, $0xb8;
	[tilespmem:$0x19000] =	vst v63  }
0x1e: {  	v3 =	vperm.xlane v3, v2  }
0x1f: {  	[tilespmem:s15], [sflag:$0x1] =	stream.indirect_vreg.gather [hbm4b:s6+s4], $0x80, v4, vm0, $0xb8;
	[tilespmem:$0x19000] =	vst v63  }
0x20: {  	v3 =	vadd.s32 v1, v3  }
0x21: {  	[tilespmem:s16], [sflag:$0x1] =	stream.indirect_vreg.gather [hbm4b:s7+s4], $0x80, v4, vm0, $0xb8;
	[tilespmem:$0x19000] =	vst v63  }
0x22: {  	_ = 	snop  }
0x23: {  	[tilespmem:s17], [sflag:$0x1] =	stream.indirect_vreg.gather [hbm4b:s8+s4], $0x80, v4, vm0, $0xb8;
	[tilespmem:$0x19000] =	vst v63  }
0x24: {  	_ = 	snop  }
0x25: {  	[tilespmem:s18], [sflag:$0x1] =	stream.indirect_vreg.gather [hbm4b:s1+s4], $0x80, v3, vm0, $0xb8;
	[tilespmem:$0x19000] =	vst v63  }
0x26: {  	_ = 	snop  }
0x27: {  	[tilespmem:s19], [sflag:$0x1] =	stream.indirect_vreg.gather [hbm4b:s6+s4], $0x80, v3, vm0, $0xb8;
	[tilespmem:$0x19000] =	vst v63  }
0x28: {  	_ = 	snop  }
0x29: {  	[tilespmem:s20], [sflag:$0x1] =	stream.indirect_vreg.gather [hbm4b:s7+s4], $0x80, v3, vm0, $0xb8;
	[tilespmem:$0x19000] =	vst v63  }
0x2a: {  	_ = 	snop  }
0x2b: {  	[tilespmem:s21], [sflag:$0x1] =	stream.indirect_vreg.gather [hbm4b:s8+s4], $0x80, v3, vm0, $0xb8;
	[tilespmem:$0x19000] =	vst v63  }
0x2c: {  	v3 =	vld [tilespmem:$0x10];
	_ =	sdelay $0x4  }
0x2d: {  	v63 =	vshll.u32 v3, $0x3  }
0x2e: {  	v3 =	vand.u32 $0x7, v3;
	v4 =	vand.u32 $0xFFFFFFC0, v63  }
0x2f: {  	v3 =	vor.u32 v3, v4  }
0x30: {  	v4 =	vperm.xlane v3, v0;
	_ =	sdelay $0x1  }
0x31: {  	v4 =	vadd.s32 v1, v4;
	_ =	sdelay $0x4  }
0x32: {  	[tilespmem:s22], [sflag:$0x1] =	stream.indirect_vreg.gather [hbm4b:s1+s4], $0x80, v4, vm0, $0xb8;
	[tilespmem:$0x19000] =	vst v63  }
0x33: {  	v3 =	vperm.xlane v3, v2  }
0x34: {  	[tilespmem:s23], [sflag:$0x1] =	stream.indirect_vreg.gather [hbm4b:s6+s4], $0x80, v4, vm0, $0xb8;
	[tilespmem:$0x19000] =	vst v63  }
0x35: {  	v3 =	vadd.s32 v1, v3  }
0x36: {  	[tilespmem:s24], [sflag:$0x1] =	stream.indirect_vreg.gather [hbm4b:s7+s4], $0x80, v4, vm0, $0xb8;
	[tilespmem:$0x19000] =	vst v63  }
0x37: {  	_ = 	snop  }
0x38: {  	[tilespmem:s25], [sflag:$0x1] =	stream.indirect_vreg.gather [hbm4b:s8+s4], $0x80, v4, vm0, $0xb8;
	[tilespmem:$0x19000] =	vst v63  }
0x39: {  	_ = 	snop  }
0x3a: {  	[tilespmem:s26], [sflag:$0x1] =	stream.indirect_vreg.gather [hbm4b:s1+s4], $0x80, v3, vm0, $0xb8;
	[tilespmem:$0x19000] =	vst v63  }
0x3b: {  	_ = 	snop  }
0x3c: {  	[tilespmem:s28], [sflag:$0x1] =	stream.indirect_vreg.gather [hbm4b:s6+s4], $0x80, v3, vm0, $0xb8;
	[tilespmem:$0x19000] =	vst v63  }
0x3d: {  	_ = 	snop  }
0x3e: {  	[tilespmem:s29], [sflag:$0x1] =	stream.indirect_vreg.gather [hbm4b:s7+s4], $0x80, v3, vm0, $0xb8;
	[tilespmem:$0x19000] =	vst v63  }
0x3f: {  	_ = 	snop  }
0x40: {  	[tilespmem:s30], [sflag:$0x1] =	stream.indirect_vreg.gather [hbm4b:s8+s4], $0x80, v3, vm0, $0xb8;
	[tilespmem:$0x19000] =	vst v63  }
0x41: {  	_ =	swait.ge [sflag:s31], $0x8000  }
0x42: {  	[sflag:s31] =	ssyncset.done $0x0  }
0x43: {  	s12 =	simm.s32 $0x0;
	[sflag:s31] =	ssyncadd.s32 $0xFFFF8000  }
.LBB2_2:
0x44: {  	s13 =	sshra.s32 s12, $0x2  }
0x45: {  	v3 =	vld [tilespmem:s13+$0x0];
	_ =	sdelay $0x4  }
0x46: {  	v4 =	vshll.u32 v3, $0x3  }
0x47: {  	v3 =	vand.u32 $0x7, v3;
	v4 =	vand.u32 $0xFFFFFFC0, v4  }
0x48: {  	v3 =	vor.u32 v3, v4  }
0x49: {  	v4 =	vperm.xlane v3, v0;
	_ =	sdelay $0x1  }
0x4a: {  	v4 =	vadd.s32 v1, v4;
	_ =	sdelay $0x4  }
0x4b: {  	[hbm4b:s2+s4] =	stream.indirect_vreg.scatter [tilespmem:s14], [sflag:$0x2], $0x80, v4, vm0, $0xb8;
	[tilespmem:$0x19000] =	vst v63  }
0x4c: {  	v3 =	vperm.xlane v3, v2  }
0x4d: {  	[hbm4b:s9+s4] =	stream.indirect_vreg.scatter [tilespmem:s15], [sflag:$0x2], $0x80, v4, vm0, $0xb8;
	[tilespmem:$0x19000] =	vst v63  }
0x4e: {  	v3 =	vadd.s32 v1, v3  }
0x4f: {  	[hbm4b:s10+s4] =	stream.indirect_vreg.scatter [tilespmem:s16], [sflag:$0x2], $0x80, v4, vm0, $0xb8;
	[tilespmem:$0x19000] =	vst v63  }
0x50: {  	_ = 	snop  }
0x51: {  	[hbm4b:s11+s4] =	stream.indirect_vreg.scatter [tilespmem:s17], [sflag:$0x2], $0x80, v4, vm0, $0xb8;
	[tilespmem:$0x19000] =	vst v63  }
0x52: {  	_ = 	snop  }
0x53: {  	[hbm4b:s2+s4] =	stream.indirect_vreg.scatter [tilespmem:s18], [sflag:$0x2], $0x80, v3, vm0, $0xb8;
	[tilespmem:$0x19000] =	vst v63  }
0x54: {  	_ = 	snop  }
0x55: {  	[hbm4b:s9+s4] =	stream.indirect_vreg.scatter [tilespmem:s19], [sflag:$0x2], $0x80, v3, vm0, $0xb8;
	[tilespmem:$0x19000] =	vst v63  }
0x56: {  	_ = 	snop  }
0x57: {  	[hbm4b:s10+s4] =	stream.indirect_vreg.scatter [tilespmem:s20], [sflag:$0x2], $0x80, v3, vm0, $0xb8;
	[tilespmem:$0x19000] =	vst v63  }
0x58: {  	_ = 	snop  }
0x59: {  	[hbm4b:s11+s4] =	stream.indirect_vreg.scatter [tilespmem:s21], [sflag:$0x2], $0x80, v3, vm0, $0xb8;
	[tilespmem:$0x19000] =	vst v63  }
0x5a: {  	v3 =	vld [tilespmem:s13+$0x10];
	_ =	sdelay $0x4  }
0x5b: {  	v61 =	vshll.u32 v3, $0x3  }
0x5c: {  	v3 =	vand.u32 $0x7, v3;
	v4 =	vand.u32 $0xFFFFFFC0, v61  }
0x5d: {  	v3 =	vor.u32 v3, v4  }
0x5e: {  	v4 =	vperm.xlane v3, v0;
	_ =	sdelay $0x1  }
0x5f: {  	v4 =	vadd.s32 v1, v4;
	_ =	sdelay $0x4  }
0x60: {  	[hbm4b:s2+s4] =	stream.indirect_vreg.scatter [tilespmem:s22], [sflag:$0x2], $0x80, v4, vm0, $0xb8;
	[tilespmem:$0x19000] =	vst v63  }
0x61: {  	v3 =	vperm.xlane v3, v2  }
0x62: {  	[hbm4b:s9+s4] =	stream.indirect_vreg.scatter [tilespmem:s23], [sflag:$0x2], $0x80, v4, vm0, $0xb8;
	[tilespmem:$0x19000] =	vst v63  }
0x63: {  	v3 =	vadd.s32 v1, v3  }
0x64: {  	[hbm4b:s10+s4] =	stream.indirect_vreg.scatter [tilespmem:s24], [sflag:$0x2], $0x80, v4, vm0, $0xb8;
	[tilespmem:$0x19000] =	vst v63  }
0x65: {  	_ = 	snop  }
0x66: {  	[hbm4b:s11+s4] =	stream.indirect_vreg.scatter [tilespmem:s25], [sflag:$0x2], $0x80, v4, vm0, $0xb8;
	[tilespmem:$0x19000] =	vst v63  }
0x67: {  	_ = 	snop  }
0x68: {  	[hbm4b:s2+s4] =	stream.indirect_vreg.scatter [tilespmem:s26], [sflag:$0x2], $0x80, v3, vm0, $0xb8;
	[tilespmem:$0x19000] =	vst v63  }
0x69: {  	_ = 	snop  }
0x6a: {  	[hbm4b:s9+s4] =	stream.indirect_vreg.scatter [tilespmem:s28], [sflag:$0x2], $0x80, v3, vm0, $0xb8;
	[tilespmem:$0x19000] =	vst v63  }
0x6b: {  	_ = 	snop  }
0x6c: {  	[hbm4b:s10+s4] =	stream.indirect_vreg.scatter [tilespmem:s29], [sflag:$0x2], $0x80, v3, vm0, $0xb8;
	[tilespmem:$0x19000] =	vst v63  }
0x6d: {  	_ = 	snop  }
0x6e: {  	[hbm4b:s11+s4] =	stream.indirect_vreg.scatter [tilespmem:s30], [sflag:$0x2], $0x80, v3, vm0, $0xb8;
	[tilespmem:$0x19000] =	vst v63  }
0x6f: {  	v3 =	vld [tilespmem:s13+$0x80];
	_ =	sdelay $0x4  }
0x70: {  	v62 =	vshll.u32 v3, $0x3  }
0x71: {  	v3 =	vand.u32 $0x7, v3;
	v4 =	vand.u32 $0xFFFFFFC0, v62  }
0x72: {  	v3 =	vor.u32 v3, v4  }
0x73: {  	v4 =	vperm.xlane v3, v0;
	_ =	sdelay $0x1  }
0x74: {  	v4 =	vadd.s32 v1, v4;
	_ =	sdelay $0x4  }
0x75: {  	[hbm4b:s2+s4] =	stream.indirect_vreg.scatter [tilespmem:s14], [sflag:$0x3], $0x80, v4, vm0, $0xb8;
	[tilespmem:$0x19000] =	vst v63  }
0x76: {  	v3 =	vperm.xlane v3, v2  }
0x77: {  	[hbm4b:s9+s4] =	stream.indirect_vreg.scatter [tilespmem:s15], [sflag:$0x3], $0x80, v4, vm0, $0xb8;
	[tilespmem:$0x19000] =	vst v63  }
0x78: {  	v3 =	vadd.s32 v1, v3  }
0x79: {  	[hbm4b:s10+s4] =	stream.indirect_vreg.scatter [tilespmem:s16], [sflag:$0x3], $0x80, v4, vm0, $0xb8;
	[tilespmem:$0x19000] =	vst v63  }
0x7a: {  	_ = 	snop  }
0x7b: {  	[hbm4b:s11+s4] =	stream.indirect_vreg.scatter [tilespmem:s17], [sflag:$0x3], $0x80, v4, vm0, $0xb8;
	[tilespmem:$0x19000] =	vst v63  }
0x7c: {  	_ = 	snop  }
0x7d: {  	[hbm4b:s2+s4] =	stream.indirect_vreg.scatter [tilespmem:s18], [sflag:$0x3], $0x80, v3, vm0, $0xb8;
	[tilespmem:$0x19000] =	vst v63  }
0x7e: {  	_ = 	snop  }
0x7f: {  	[hbm4b:s9+s4] =	stream.indirect_vreg.scatter [tilespmem:s19], [sflag:$0x3], $0x80, v3, vm0, $0xb8;
	[tilespmem:$0x19000] =	vst v63  }
0x80: {  	_ = 	snop  }
0x81: {  	[hbm4b:s10+s4] =	stream.indirect_vreg.scatter [tilespmem:s20], [sflag:$0x3], $0x80, v3, vm0, $0xb8;
	[tilespmem:$0x19000] =	vst v63  }
0x82: {  	_ = 	snop  }
0x83: {  	[hbm4b:s11+s4] =	stream.indirect_vreg.scatter [tilespmem:s21], [sflag:$0x3], $0x80, v3, vm0, $0xb8;
	[tilespmem:$0x19000] =	vst v63  }
0x84: {  	v3 =	vld [tilespmem:s13+$0x90];
	_ =	sdelay $0x4  }
0x85: {  	v63 =	vshll.u32 v3, $0x3  }
0x86: {  	v3 =	vand.u32 $0x7, v3;
	v4 =	vand.u32 $0xFFFFFFC0, v63  }
0x87: {  	v3 =	vor.u32 v3, v4  }
0x88: {  	v4 =	vperm.xlane v3, v0;
	_ =	sdelay $0x1  }
0x89: {  	v4 =	vadd.s32 v1, v4;
	_ =	sdelay $0x4  }
0x8a: {  	[hbm4b:s2+s4] =	stream.indirect_vreg.scatter [tilespmem:s22], [sflag:$0x3], $0x80, v4, vm0, $0xb8;
	[tilespmem:$0x19000] =	vst v63  }
0x8b: {  	v3 =	vperm.xlane v3, v2  }
0x8c: {  	[hbm4b:s9+s4] =	stream.indirect_vreg.scatter [tilespmem:s23], [sflag:$0x3], $0x80, v4, vm0, $0xb8;
	[tilespmem:$0x19000] =	vst v63  }
0x8d: {  	v3 =	vadd.s32 v1, v3  }
0x8e: {  	[hbm4b:s10+s4] =	stream.indirect_vreg.scatter [tilespmem:s24], [sflag:$0x3], $0x80, v4, vm0, $0xb8;
	[tilespmem:$0x19000] =	vst v63  }
0x8f: {  	_ = 	snop  }
0x90: {  	[hbm4b:s11+s4] =	stream.indirect_vreg.scatter [tilespmem:s25], [sflag:$0x3], $0x80, v4, vm0, $0xb8;
	[tilespmem:$0x19000] =	vst v63  }
0x91: {  	_ = 	snop  }
0x92: {  	[hbm4b:s2+s4] =	stream.indirect_vreg.scatter [tilespmem:s26], [sflag:$0x3], $0x80, v3, vm0, $0xb8;
	[tilespmem:$0x19000] =	vst v63  }
0x93: {  	_ = 	snop  }
0x94: {  	[hbm4b:s9+s4] =	stream.indirect_vreg.scatter [tilespmem:s28], [sflag:$0x3], $0x80, v3, vm0, $0xb8;
	[tilespmem:$0x19000] =	vst v63  }
0x95: {  	_ = 	snop  }
0x96: {  	[hbm4b:s10+s4] =	stream.indirect_vreg.scatter [tilespmem:s29], [sflag:$0x3], $0x80, v3, vm0, $0xb8;
	[tilespmem:$0x19000] =	vst v63  }
0x97: {  	_ = 	snop  }
0x98: {  	[hbm4b:s11+s4] =	stream.indirect_vreg.scatter [tilespmem:s30], [sflag:$0x3], $0x80, v3, vm0, $0xb8;
	[tilespmem:$0x19000] =	vst v63  }
0x99: {  	p0 =	sne.s32 s12, $0x3C00;
	_ =	swait.ge [sflag:s0], $0x8000  }
.Ltmp0:
0x9a: {  	[sflag:s0] =	ssyncset.done $0x0;
	(pc) =	sbr.rel @p0 .LBB2_2-.Ltmp0, $4  }
0x9b: {  	[sflag:s0] =	ssyncadd.s32 $0xFFFF8000  }
0x9c: {  	_ =	swait.ge [sflag:s3], $0x8000  }
0x9d: {  	[sflag:s3] =	ssyncset.done $0x0  }
0x9e: {  	s12 =	sadd.s32 $0x400, s12;
	[sflag:s3] =	ssyncadd.s32 $0xFFFF8000  }
0x9f: {  	s5 =	sadd.s32 $0x1, s5;
	s12 =	rddreg [dreg:$0x5]  }
0xa0: {  	p0 =	sne.s32 s5, s12  }
.Ltmp1:
0xa1: {  	_ = 	snop;
	(pc) =	sbr.rel @p0 .LBB2_1-.Ltmp1, $1  }
0xa2: {  	_ =	sdelay $0x3  }
0xa3: {  	_ =	sfence.sel $0x180000  }
0xa4: {  	[bflag:$0x0] =	sbarrier.arrive $0xFFFF  }
0xa5: {  	_ =	strace $0x90000047  }
0xa6: {  	s0 =	stileid.u32;
	[bflag:$0x2] =	sbarrier.arrive $0xFFFF  }
0xa7: {  	p0 =	sne.s32 s0, $0x0;
	s0 =	rddreg [dreg:$0x3]  }
0xa8: {  	s0 =	sadd.s32 @!p0 $0x100000, s0  }
0xa9: {  	[sflag:s0] =	ssyncadd.tile.s32 @!p0 $0x1;
	_ =	shalt  }
.Lfunc_end2:
_tile_overlayer_lowered:
.L_overlay_start_2:
0xaa: {  	(tag) =	ssettag $0x2  }
0xab: {  	s0 =	rddreg [dreg:$0x0];
	s2 =	stileid.u32  }
0xac: {  	s1 =	rddreg [dreg:$0x1];
	p0 =	sne.s32 s2, $0x0  }
0xad: {  	s3 =	rddreg [dreg:$0x2];
	[bflag:$0x3] =	sbarrier.arrive $0xFFFF;
	s2 =	simm.s32 @!p0 $0x1C04  }
0xae: {  	[timem:s3], [sflag:s2] =	dma.local @!p0 [hbm:s0], s1  }
0xaf: {  	s0 =	simm.s32 @!p0 $0x4  }
0xb0: {  	_ =	swait.ge @!p0 [sflag:s0], s1  }
0xb1: {  	s1 =	ssub.s32 @!p0 $0x0, s1;
	[sflag:s0] =	ssyncset.done @!p0 $0x0  }
0xb2: {  	[sflag:s0] =	ssyncadd.s32 @!p0 s1  }
0xb3: {  	[bflag:$0x3] =	sbarrier.arrive $0xFFFF  }
0xb4: {  	_ =	shalt  }

</sc_bundles>
